<compile_context>
chip_gen: v7x
topology: tpu7x:2x2x1
jax: 0.10.2.dev20260603
libtpu: 0.0.44.dev20260713+nightly
codegen_flags: <defaults>
</compile_context>

<pallas_src>
import functools

import jax
import jax.numpy as jnp
from jax import lax
from jax.experimental import pallas as pl
from jax.experimental.pallas import tpu as pltpu
from jax.experimental.pallas import tpu_sc as plsc

N, D, K = 9216, 256, 8192
BN = 1024
NB = N // BN

_NC, _NS = 2, 16
_NW = _NC * _NS
_BW = N // _NW
_CH = 96


def _argmin_body(r_ref, rm2_ref, c_ref, csq_ref, jrow_ref, idx_ref):
    r = r_ref[...]
    cross_m2 = lax.dot_general(rm2_ref[...], c_ref[...],
                               (((1,), (1,)), ((), ())),
                               preferred_element_type=jnp.float32)
    r_sq = jnp.sum(r * r, axis=1, keepdims=True)
    c_sq = csq_ref[...]
    dist = (r_sq + c_sq) + cross_m2
    m = jnp.min(dist, axis=1, keepdims=True)
    jidx = jrow_ref[...]
    idx = jnp.min(jnp.where(dist == m, jidx, jnp.float32(K)), axis=1)
    idx_ref[0, 0, :] = idx.astype(jnp.int32)


def _argmin_call(previous_residual, r_m2_bf16, c_bf16, c_sq, j_row):
    return pl.pallas_call(
        _argmin_body,
        grid=(NB,),
        in_specs=[pl.BlockSpec((BN, D), lambda i: (i, 0)),
                  pl.BlockSpec((BN, D), lambda i: (i, 0)),
                  pl.BlockSpec((K, D), lambda i: (0, 0)),
                  pl.BlockSpec((1, K), lambda i: (0, 0)),
                  pl.BlockSpec((1, K), lambda i: (0, 0))],
        out_specs=pl.BlockSpec((1, 1, BN), lambda i: (i, 0, 0)),
        out_shape=jax.ShapeDtypeStruct((NB, 1, BN), jnp.int32),
    )(previous_residual, r_m2_bf16, c_bf16, c_sq, j_row)


_mesh = plsc.VectorSubcoreMesh(core_axis_name="c", subcore_axis_name="s")


@functools.partial(
    pl.kernel,
    mesh=_mesh,
    out_type=jax.ShapeDtypeStruct((N, D), jnp.float32),
    scratch_types=[pltpu.VMEM((_BW,), jnp.int32),
                   pltpu.VMEM((_CH, D), jnp.float32),
                   pltpu.VMEM((_CH, D), jnp.float32),
                   pltpu.SemaphoreType.DMA,
                   pltpu.SemaphoreType.DMA],
)
def _gather(cb_hbm, idx_hbm, emb_hbm, idx_v, buf0, buf1, sem0, sem1):
    wid = lax.axis_index("s") * _NC + lax.axis_index("c")
    base = wid * _BW
    pltpu.sync_copy(idx_hbm.at[pl.ds(base, _BW)], idx_v)
    cp0 = pltpu.async_copy(cb_hbm.at[idx_v.at[pl.ds(0, _CH)]], buf0, sem0)
    cp1 = pltpu.async_copy(cb_hbm.at[idx_v.at[pl.ds(_CH, _CH)]], buf1, sem1)
    cp0.wait()
    pltpu.sync_copy(buf0, emb_hbm.at[pl.ds(base, _CH)])
    cp2 = pltpu.async_copy(cb_hbm.at[idx_v.at[pl.ds(2 * _CH, _CH)]], buf0, sem0)
    cp1.wait()
    pltpu.sync_copy(buf1, emb_hbm.at[pl.ds(base + _CH, _CH)])
    cp2.wait()
    pltpu.sync_copy(buf0, emb_hbm.at[pl.ds(base + 2 * _CH, _CH)])


def _sub_body(r_ref, e_ref, o_ref):
    o_ref[...] = r_ref[...] - e_ref[...]


def _sub_call(previous_residual, emb):
    bs = 1024
    return pl.pallas_call(
        _sub_body,
        grid=(N // bs,),
        in_specs=[pl.BlockSpec((bs, D), lambda i: (i, 0)),
                  pl.BlockSpec((bs, D), lambda i: (i, 0))],
        out_specs=pl.BlockSpec((bs, D), lambda i: (i, 0)),
        out_shape=jax.ShapeDtypeStruct((N, D), jnp.float32),
    )(previous_residual, emb)


def kernel(previous_residual, codebook_embeddings):
    c_sq = jnp.sum(jnp.square(codebook_embeddings), axis=1)[jnp.newaxis, :]
    j_row = jnp.arange(K, dtype=jnp.float32)[jnp.newaxis, :]
    r_m2_bf16 = (previous_residual * jnp.float32(-2.0)).astype(jnp.bfloat16)
    c_bf16 = codebook_embeddings.astype(jnp.bfloat16)
    idx = _argmin_call(previous_residual, r_m2_bf16, c_bf16,
                       c_sq, j_row).reshape(N)
    emb = _gather(codebook_embeddings, idx)
    nxt = _sub_call(previous_residual, emb)
    return idx, nxt, emb

# --- scband reference (transcript-rebuilt; emitter-appended) ---
"""Pipeline reference for scband-rq-vae-29592324669839 (READ-ONLY COPY).

The authoritative reference and input builder live on the scoring server;
editing this copy changes nothing except your own understanding.
"""

import jax, jax.numpy as jnp
import numpy as np


def setup_inputs(seed: int = 0) -> dict:
    key = jax.random.key(seed)
    k1, k2 = jax.random.split(key)
    previous_residual = jax.random.normal(k1, (9216, 256), dtype=jnp.float32)
    # GlorotUniform init for codebook_embeddings of shape (codebook_size, residual_dimension)
    fan_in, fan_out = 8192, 256
    limit = float(np.sqrt(6.0 / (fan_in + fan_out)))
    codebook_embeddings = jax.random.uniform(k2, (8192, 256), minval=-limit, maxval=limit, dtype=jnp.float32)
    return {"previous_residual": previous_residual, "codebook_embeddings": codebook_embeddings}


def reference(previous_residual, codebook_embeddings):
    # distances[i, j] = sum_d (r[i,d] - c[j,d])^2
    #                 = ||r_i||^2 + ||c_j||^2 - 2 <r_i, c_j>   (same math, expressed via matmul)
    r_sq = jnp.sum(jnp.square(previous_residual), axis=1, keepdims=True)        # [N, 1]
    c_sq = jnp.sum(jnp.square(codebook_embeddings), axis=1)[jnp.newaxis, :]     # [1, K]
    cross = previous_residual @ codebook_embeddings.T                            # [N, K]
    distances = r_sq + c_sq - 2.0 * cross
    closest_codebook_index = jnp.argmin(distances, axis=1)
    codebook_embedding = jnp.take(codebook_embeddings, closest_codebook_index, axis=0)
    next_residual = previous_residual - codebook_embedding
    return (closest_codebook_index, next_residual, codebook_embedding)

if __name__ == "__main__":
    import jax
    _d = setup_inputs()
    print(jax.jit(kernel)(*tuple(_d.values())))

</pallas_src>

<mosaic_0001>
#map = affine_map<(d0, d1) -> (0, 0)>
#map1 = affine_map<(d0, d1) -> (0)>
module attributes {stable_mosaic.version = 14 : i64} {
  func.func @_gather(%arg0: i32, %arg1: i32, %arg2: memref<8192x256xf32, #tpu.memory_space<hbm>>, %arg3: memref<9216xi32, #tpu.memory_space<hbm>>, %arg4: memref<9216x256xf32, #tpu.memory_space<hbm>>, %arg5: memref<288xi32, #tpu.memory_space<vmem>>, %arg6: memref<96x256xf32, #tpu.memory_space<vmem>>, %arg7: memref<96x256xf32, #tpu.memory_space<vmem>>, %arg8: memref<!tpu.dma_semaphore, #tpu.memory_space<semaphore_mem>>, %arg9: memref<!tpu.dma_semaphore, #tpu.memory_space<semaphore_mem>>) attributes {dimension_semantics = [#tpu.dimension_semantics<core_parallel>, #tpu.dimension_semantics<subcore_parallel>], iteration_bounds = array<i64: 2, 16>, scalar_prefetch = 0 : i64, scratch_operands = 5 : i64, tpu.core_type = #tpu.core_type<sc_vector_subcore>, window_params = [{transform_indices = #map}, {transform_indices = #map1}, {transform_indices = #map}]} {
    %mul3A = arith.constant 2 : i32
    %mul3A_0 = arith.muli %arg1, %mul3A : i32
    %add3A = arith.addi %mul3A_0, %arg0 : i32
    %mul3A_1 = arith.constant 288 : i32
    %mul3A_2 = arith.muli %add3A, %mul3A_1 : i32
    "tpu.region"() ({
      %run_scoped3A = tpu.sem_alloc : memref<!tpu.dma_semaphore, #tpu.memory_space<semaphore_mem>>
      %dma_start3A_35 = tpu.memref_slice %arg3[%mul3A_2] : memref<9216xi32, #tpu.memory_space<hbm>> -> memref<288xi32, #tpu.memory_space<hbm>>
      %dma_start3A_36 = tpu.memref_slice %arg3[%mul3A_2] : memref<9216xi32, #tpu.memory_space<hbm>> -> memref<288xi32, #tpu.memory_space<hbm>>
      tpu.enqueue_dma source(%dma_start3A_36 : memref<288xi32, #tpu.memory_space<hbm>>) target(%arg5 : memref<288xi32, #tpu.memory_space<vmem>>) target_semaphore(%run_scoped3A : memref<!tpu.dma_semaphore, #tpu.memory_space<semaphore_mem>>)
      %dma_wait3A_37 = tpu.memref_slice %arg3[%mul3A_2] : memref<9216xi32, #tpu.memory_space<hbm>> -> memref<288xi32, #tpu.memory_space<hbm>>
      %dma_wait3A_38 = tpu.memref_slice %arg3[%mul3A_2] : memref<9216xi32, #tpu.memory_space<hbm>> -> memref<288xi32, #tpu.memory_space<hbm>>
      tpu.wait_dma2 semaphore(%run_scoped3A : memref<!tpu.dma_semaphore, #tpu.memory_space<semaphore_mem>>) src(%dma_wait3A_38 : memref<288xi32, #tpu.memory_space<hbm>>) dst(%arg5 : memref<288xi32, #tpu.memory_space<vmem>>)
      tpu.yield
    }) : () -> ()
    %dma_start3A = arith.constant 0 : i32
    %dma_start3A_3 = tpu.memref_slice %arg5[%dma_start3A] : memref<288xi32, #tpu.memory_space<vmem>> -> memref<96xi32, #tpu.memory_space<vmem>>
    %dma_start3A_4 = arith.constant 0 : i32
    %dma_start3A_5 = arith.constant 0 : i32
    %dma_start3A_6 = tpu.memref_slice %arg2[%dma_start3A_4, %dma_start3A_5] : memref<8192x256xf32, #tpu.memory_space<hbm>> -> memref<8192x256xf32, #tpu.memory_space<hbm>>
    tpu.enqueue_indirect_dma source(%dma_start3A_6 : memref<8192x256xf32, #tpu.memory_space<hbm>>) target(%arg6 : memref<96x256xf32, #tpu.memory_space<vmem>>) offsets(%dma_start3A_3 : memref<96xi32, #tpu.memory_space<vmem>>) semaphore(%arg8 : memref<!tpu.dma_semaphore, #tpu.memory_space<semaphore_mem>>)
    %dma_start3A_7 = arith.constant 96 : i32
    %dma_start3A_8 = tpu.memref_slice %arg5[%dma_start3A_7] : memref<288xi32, #tpu.memory_space<vmem>> -> memref<96xi32, #tpu.memory_space<vmem>>
    %dma_start3A_9 = arith.constant 0 : i32
    %dma_start3A_10 = arith.constant 0 : i32
    %dma_start3A_11 = tpu.memref_slice %arg2[%dma_start3A_9, %dma_start3A_10] : memref<8192x256xf32, #tpu.memory_space<hbm>> -> memref<8192x256xf32, #tpu.memory_space<hbm>>
    tpu.enqueue_indirect_dma source(%dma_start3A_11 : memref<8192x256xf32, #tpu.memory_space<hbm>>) target(%arg7 : memref<96x256xf32, #tpu.memory_space<vmem>>) offsets(%dma_start3A_8 : memref<96xi32, #tpu.memory_space<vmem>>) semaphore(%arg9 : memref<!tpu.dma_semaphore, #tpu.memory_space<semaphore_mem>>)
    %dma_wait3A = arith.constant 0 : i32
    %dma_wait3A_12 = tpu.memref_slice %arg5[%dma_wait3A] : memref<288xi32, #tpu.memory_space<vmem>> -> memref<96xi32, #tpu.memory_space<vmem>>
    %dma_wait3A_13 = arith.constant 0 : i32
    %dma_wait3A_14 = arith.constant 0 : i32
    %dma_wait3A_15 = tpu.memref_slice %arg2[%dma_wait3A_13, %dma_wait3A_14] : memref<8192x256xf32, #tpu.memory_space<hbm>> -> memref<8192x256xf32, #tpu.memory_space<hbm>>
    tpu.wait_indirect_dma semaphore(%arg8 : memref<!tpu.dma_semaphore, #tpu.memory_space<semaphore_mem>>) src(%dma_wait3A_15 : memref<8192x256xf32, #tpu.memory_space<hbm>>) dst(%arg6 : memref<96x256xf32, #tpu.memory_space<vmem>>)
    "tpu.region"() ({
      %run_scoped3A = tpu.sem_alloc : memref<!tpu.dma_semaphore, #tpu.memory_space<semaphore_mem>>
      %dma_start3A_35 = arith.constant 0 : i32
      %dma_start3A_36 = tpu.memref_slice %arg4[%mul3A_2, %dma_start3A_35] : memref<9216x256xf32, #tpu.memory_space<hbm>> -> memref<96x256xf32, #tpu.memory_space<hbm>>
      %dma_start3A_37 = arith.constant 0 : i32
      %dma_start3A_38 = tpu.memref_slice %arg4[%mul3A_2, %dma_start3A_37] : memref<9216x256xf32, #tpu.memory_space<hbm>> -> memref<96x256xf32, #tpu.memory_space<hbm>>
      tpu.enqueue_dma source(%arg6 : memref<96x256xf32, #tpu.memory_space<vmem>>) target(%dma_start3A_38 : memref<96x256xf32, #tpu.memory_space<hbm>>) target_semaphore(%run_scoped3A : memref<!tpu.dma_semaphore, #tpu.memory_space<semaphore_mem>>)
      %dma_wait3A_39 = arith.constant 0 : i32
      %dma_wait3A_40 = tpu.memref_slice %arg4[%mul3A_2, %dma_wait3A_39] : memref<9216x256xf32, #tpu.memory_space<hbm>> -> memref<96x256xf32, #tpu.memory_space<hbm>>
      %dma_wait3A_41 = arith.constant 0 : i32
      %dma_wait3A_42 = tpu.memref_slice %arg4[%mul3A_2, %dma_wait3A_41] : memref<9216x256xf32, #tpu.memory_space<hbm>> -> memref<96x256xf32, #tpu.memory_space<hbm>>
      tpu.wait_dma2 semaphore(%run_scoped3A : memref<!tpu.dma_semaphore, #tpu.memory_space<semaphore_mem>>) src(%arg6 : memref<96x256xf32, #tpu.memory_space<vmem>>) dst(%dma_wait3A_42 : memref<96x256xf32, #tpu.memory_space<hbm>>)
      tpu.yield
    }) : () -> ()
    %dma_start3A_16 = arith.constant 192 : i32
    %dma_start3A_17 = tpu.memref_slice %arg5[%dma_start3A_16] : memref<288xi32, #tpu.memory_space<vmem>> -> memref<96xi32, #tpu.memory_space<vmem>>
    %dma_start3A_18 = arith.constant 0 : i32
    %dma_start3A_19 = arith.constant 0 : i32
    %dma_start3A_20 = tpu.memref_slice %arg2[%dma_start3A_18, %dma_start3A_19] : memref<8192x256xf32, #tpu.memory_space<hbm>> -> memref<8192x256xf32, #tpu.memory_space<hbm>>
    tpu.enqueue_indirect_dma source(%dma_start3A_20 : memref<8192x256xf32, #tpu.memory_space<hbm>>) target(%arg6 : memref<96x256xf32, #tpu.memory_space<vmem>>) offsets(%dma_start3A_17 : memref<96xi32, #tpu.memory_space<vmem>>) semaphore(%arg8 : memref<!tpu.dma_semaphore, #tpu.memory_space<semaphore_mem>>)
    %dma_wait3A_21 = arith.constant 96 : i32
    %dma_wait3A_22 = tpu.memref_slice %arg5[%dma_wait3A_21] : memref<288xi32, #tpu.memory_space<vmem>> -> memref<96xi32, #tpu.memory_space<vmem>>
    %dma_wait3A_23 = arith.constant 0 : i32
    %dma_wait3A_24 = arith.constant 0 : i32
    %dma_wait3A_25 = tpu.memref_slice %arg2[%dma_wait3A_23, %dma_wait3A_24] : memref<8192x256xf32, #tpu.memory_space<hbm>> -> memref<8192x256xf32, #tpu.memory_space<hbm>>
    tpu.wait_indirect_dma semaphore(%arg9 : memref<!tpu.dma_semaphore, #tpu.memory_space<semaphore_mem>>) src(%dma_wait3A_25 : memref<8192x256xf32, #tpu.memory_space<hbm>>) dst(%arg7 : memref<96x256xf32, #tpu.memory_space<vmem>>)
    %add3A_26 = arith.constant 96 : i32
    %add3A_27 = arith.addi %mul3A_2, %add3A_26 : i32
    "tpu.region"() ({
      %run_scoped3A = tpu.sem_alloc : memref<!tpu.dma_semaphore, #tpu.memory_space<semaphore_mem>>
      %dma_start3A_35 = arith.constant 0 : i32
      %dma_start3A_36 = tpu.memref_slice %arg4[%add3A_27, %dma_start3A_35] : memref<9216x256xf32, #tpu.memory_space<hbm>> -> memref<96x256xf32, #tpu.memory_space<hbm>>
      %dma_start3A_37 = arith.constant 0 : i32
      %dma_start3A_38 = tpu.memref_slice %arg4[%add3A_27, %dma_start3A_37] : memref<9216x256xf32, #tpu.memory_space<hbm>> -> memref<96x256xf32, #tpu.memory_space<hbm>>
      tpu.enqueue_dma source(%arg7 : memref<96x256xf32, #tpu.memory_space<vmem>>) target(%dma_start3A_38 : memref<96x256xf32, #tpu.memory_space<hbm>>) target_semaphore(%run_scoped3A : memref<!tpu.dma_semaphore, #tpu.memory_space<semaphore_mem>>)
      %dma_wait3A_39 = arith.constant 0 : i32
      %dma_wait3A_40 = tpu.memref_slice %arg4[%add3A_27, %dma_wait3A_39] : memref<9216x256xf32, #tpu.memory_space<hbm>> -> memref<96x256xf32, #tpu.memory_space<hbm>>
      %dma_wait3A_41 = arith.constant 0 : i32
      %dma_wait3A_42 = tpu.memref_slice %arg4[%add3A_27, %dma_wait3A_41] : memref<9216x256xf32, #tpu.memory_space<hbm>> -> memref<96x256xf32, #tpu.memory_space<hbm>>
      tpu.wait_dma2 semaphore(%run_scoped3A : memref<!tpu.dma_semaphore, #tpu.memory_space<semaphore_mem>>) src(%arg7 : memref<96x256xf32, #tpu.memory_space<vmem>>) dst(%dma_wait3A_42 : memref<96x256xf32, #tpu.memory_space<hbm>>)
      tpu.yield
    }) : () -> ()
    %dma_wait3A_28 = arith.constant 192 : i32
    %dma_wait3A_29 = tpu.memref_slice %arg5[%dma_wait3A_28] : memref<288xi32, #tpu.memory_space<vmem>> -> memref<96xi32, #tpu.memory_space<vmem>>
    %dma_wait3A_30 = arith.constant 0 : i32
    %dma_wait3A_31 = arith.constant 0 : i32
    %dma_wait3A_32 = tpu.memref_slice %arg2[%dma_wait3A_30, %dma_wait3A_31] : memref<8192x256xf32, #tpu.memory_space<hbm>> -> memref<8192x256xf32, #tpu.memory_space<hbm>>
    tpu.wait_indirect_dma semaphore(%arg8 : memref<!tpu.dma_semaphore, #tpu.memory_space<semaphore_mem>>) src(%dma_wait3A_32 : memref<8192x256xf32, #tpu.memory_space<hbm>>) dst(%arg6 : memref<96x256xf32, #tpu.memory_space<vmem>>)
    %add3A_33 = arith.constant 192 : i32
    %add3A_34 = arith.addi %mul3A_2, %add3A_33 : i32
    "tpu.region"() ({
      %run_scoped3A = tpu.sem_alloc : memref<!tpu.dma_semaphore, #tpu.memory_space<semaphore_mem>>
      %dma_start3A_35 = arith.constant 0 : i32
      %dma_start3A_36 = tpu.memref_slice %arg4[%add3A_34, %dma_start3A_35] : memref<9216x256xf32, #tpu.memory_space<hbm>> -> memref<96x256xf32, #tpu.memory_space<hbm>>
      %dma_start3A_37 = arith.constant 0 : i32
      %dma_start3A_38 = tpu.memref_slice %arg4[%add3A_34, %dma_start3A_37] : memref<9216x256xf32, #tpu.memory_space<hbm>> -> memref<96x256xf32, #tpu.memory_space<hbm>>
      tpu.enqueue_dma source(%arg6 : memref<96x256xf32, #tpu.memory_space<vmem>>) target(%dma_start3A_38 : memref<96x256xf32, #tpu.memory_space<hbm>>) target_semaphore(%run_scoped3A : memref<!tpu.dma_semaphore, #tpu.memory_space<semaphore_mem>>)
      %dma_wait3A_39 = arith.constant 0 : i32
      %dma_wait3A_40 = tpu.memref_slice %arg4[%add3A_34, %dma_wait3A_39] : memref<9216x256xf32, #tpu.memory_space<hbm>> -> memref<96x256xf32, #tpu.memory_space<hbm>>
      %dma_wait3A_41 = arith.constant 0 : i32
      %dma_wait3A_42 = tpu.memref_slice %arg4[%add3A_34, %dma_wait3A_41] : memref<9216x256xf32, #tpu.memory_space<hbm>> -> memref<96x256xf32, #tpu.memory_space<hbm>>
      tpu.wait_dma2 semaphore(%run_scoped3A : memref<!tpu.dma_semaphore, #tpu.memory_space<semaphore_mem>>) src(%arg6 : memref<96x256xf32, #tpu.memory_space<vmem>>) dst(%dma_wait3A_42 : memref<96x256xf32, #tpu.memory_space<hbm>>)
      tpu.yield
    }) : () -> ()
    return
  }
}

module attributes {stable_mosaic.version = 14 : i64} {
  func.func @_argmin_body(%arg0: i32, %arg1: memref<1024x256xf32, #tpu.memory_space<vmem>>, %arg2: memref<1024x256xbf16, #tpu.memory_space<vmem>>, %arg3: memref<8192x256xbf16, #tpu.memory_space<vmem>>, %arg4: memref<1x8192xf32, #tpu.memory_space<vmem>>, %arg5: memref<1x8192xf32, #tpu.memory_space<vmem>>, %arg6: memref<1x1x1024xi32, #tpu.memory_space<vmem>>) attributes {dimension_semantics = [#tpu.dimension_semantics<arbitrary>], iteration_bounds = array<i64: 9>, scalar_prefetch = 0 : i64, scratch_operands = 0 : i64, tpu.core_type = #tpu.core_type<tc>, window_params = [{transform_indices = @transform_0, window_bounds = array<i64: 1024, 256>}, {transform_indices = @transform_1, window_bounds = array<i64: 1024, 256>}, {pipeline_mode = #tpu.pipeline_mode<synchronous>, transform_indices = @transform_2, window_bounds = array<i64: 8192, 256>}, {pipeline_mode = #tpu.pipeline_mode<synchronous>, transform_indices = @transform_3, window_bounds = array<i64: 1, 8192>}, {pipeline_mode = #tpu.pipeline_mode<synchronous>, transform_indices = @transform_4, window_bounds = array<i64: 1, 8192>}, {transform_indices = @transform_5, window_bounds = array<i64: 1, 1, 1024>}]} {
    %get3A = arith.constant 0 : index
    %get3A_0 = arith.constant 0 : index
    %get3A_1 = vector.load %arg1[%get3A, %get3A_0] : memref<1024x256xf32, #tpu.memory_space<vmem>>, vector<1024x256xf32>
    %get3A_2 = arith.constant 0 : index
    %get3A_3 = arith.constant 0 : index
    %get3A_4 = vector.load %arg2[%get3A_2, %get3A_3] : memref<1024x256xbf16, #tpu.memory_space<vmem>>, vector<1024x256xbf16>
    %get3A_5 = arith.constant 0 : index
    %get3A_6 = arith.constant 0 : index
    %get3A_7 = vector.load %arg3[%get3A_5, %get3A_6] : memref<8192x256xbf16, #tpu.memory_space<vmem>>, vector<8192x256xbf16>
    %dot_general3A = arith.constant dense<0.000000e+00> : vector<1024x8192xf32>
    %dot_general3A_8 = tpu.matmul %get3A_4, %get3A_7, %dot_general3A {dimension_numbers = #tpu.dot_dimension_numbers<[1], [1], [0], [0], [0, 0, 1, 0], [], []>, transpose_lhs_hint = false} : vector<1024x256xbf16>, vector<8192x256xbf16>, vector<1024x8192xf32> -> vector<1024x8192xf32>
    %mul3A = arith.mulf %get3A_1, %get3A_1 : vector<1024x256xf32>
    %reduce_sum3A = arith.constant dense<0.000000e+00> : vector<1024xf32>
    %reduce_sum3A_9 = vector.multi_reduction <add>, %mul3A, %reduce_sum3A [1] : vector<1024x256xf32> to vector<1024xf32>
    %broadcast_in_dim3A = vector.shape_cast %reduce_sum3A_9 : vector<1024xf32> to vector<1024x1xf32>
    %get3A_10 = arith.constant 0 : index
    %get3A_11 = arith.constant 0 : index
    %get3A_12 = vector.load %arg4[%get3A_10, %get3A_11] : memref<1x8192xf32, #tpu.memory_space<vmem>>, vector<1x8192xf32>
    %add3A = vector.broadcast %broadcast_in_dim3A : vector<1024x1xf32> to vector<1024x8192xf32>
    %add3A_13 = vector.broadcast %get3A_12 : vector<1x8192xf32> to vector<1024x8192xf32>
    %add3A_14 = arith.addf %add3A, %add3A_13 : vector<1024x8192xf32>
    %add3A_15 = arith.addf %add3A_14, %dot_general3A_8 : vector<1024x8192xf32>
    %reduce_min3A = arith.constant dense<0x7F800000> : vector<1024xf32>
    %reduce_min3A_16 = vector.multi_reduction <minimumf>, %add3A_15, %reduce_min3A [1] : vector<1024x8192xf32> to vector<1024xf32>
    %broadcast_in_dim3A_17 = vector.shape_cast %reduce_min3A_16 : vector<1024xf32> to vector<1024x1xf32>
    %get3A_18 = arith.constant 0 : index
    %get3A_19 = arith.constant 0 : index
    %get3A_20 = vector.load %arg5[%get3A_18, %get3A_19] : memref<1x8192xf32, #tpu.memory_space<vmem>>, vector<1x8192xf32>
    %eq3A = vector.broadcast %broadcast_in_dim3A_17 : vector<1024x1xf32> to vector<1024x8192xf32>
    %eq3A_21 = arith.cmpf oeq, %add3A_15, %eq3A : vector<1024x8192xf32>
    %jit3A = arith.constant 8.192000e+03 : f32
    %broadcast_in_dim3A_22 = vector.shape_cast %get3A_20 : vector<1x8192xf32> to vector<1x8192xf32>
    %broadcast_in_dim3A_23 = vector.broadcast %broadcast_in_dim3A_22 : vector<1x8192xf32> to vector<1024x8192xf32>
    %broadcast_in_dim3A_24 = vector.broadcast %jit3A : f32 to vector<1024x8192xf32>
    %select_n3A = arith.select %eq3A_21, %broadcast_in_dim3A_23, %broadcast_in_dim3A_24 : vector<1024x8192xi1>, vector<1024x8192xf32>
    %reduce_min3A_25 = arith.constant dense<0x7F800000> : vector<1024xf32>
    %reduce_min3A_26 = vector.multi_reduction <minimumf>, %select_n3A, %reduce_min3A_25 [1] : vector<1024x8192xf32> to vector<1024xf32>
    %convert_element_type3A = arith.fptosi %reduce_min3A_26 : vector<1024xf32> to vector<1024xi32>
    %swap3A = arith.constant 0 : index
    %swap3A_27 = arith.constant 0 : index
    %swap3A_28 = arith.constant 0 : index
    %swap3A_29 = vector.load %arg6[%swap3A, %swap3A_27, %swap3A_28] : memref<1x1x1024xi32, #tpu.memory_space<vmem>>, vector<1x1x1024xi32>
    %swap3A_30 = vector.shape_cast %swap3A_29 : vector<1x1x1024xi32> to vector<1024xi32>
    %swap3A_31 = vector.shape_cast %convert_element_type3A : vector<1024xi32> to vector<1x1x1024xi32>
    tpu.vector_store %arg6[%swap3A, %swap3A_27, %swap3A_28], %swap3A_31 {strides = array<i32>} : memref<1x1x1024xi32, #tpu.memory_space<vmem>>, vector<1x1x1024xi32>,
    return
  }
  func.func @transform_0(%arg0: i32) -> (i32, i32) {
    %c0_i32 = arith.constant 0 : i32
    %c0_i32_0 = arith.constant 0 : i32
    return %arg0, %c0_i32 : i32, i32
  }
  func.func @transform_1(%arg0: i32) -> (i32, i32) {
    %c0_i32 = arith.constant 0 : i32
    %c0_i32_0 = arith.constant 0 : i32
    return %arg0, %c0_i32 : i32, i32
  }
  func.func @transform_2(%arg0: i32) -> (i32, i32) {
    %c0_i32 = arith.constant 0 : i32
    %c0_i32_0 = arith.constant 0 : i32
    %c0_i32_1 = arith.constant 0 : i32
    return %c0_i32, %c0_i32_0 : i32, i32
  }
  func.func @transform_3(%arg0: i32) -> (i32, i32) {
    %c0_i32 = arith.constant 0 : i32
    %c0_i32_0 = arith.constant 0 : i32
    %c0_i32_1 = arith.constant 0 : i32
    return %c0_i32, %c0_i32_0 : i32, i32
  }
  func.func @transform_4(%arg0: i32) -> (i32, i32) {
    %c0_i32 = arith.constant 0 : i32
    %c0_i32_0 = arith.constant 0 : i32
    %c0_i32_1 = arith.constant 0 : i32
    return %c0_i32, %c0_i32_0 : i32, i32
  }
  func.func @transform_5(%arg0: i32) -> (i32, i32, i32) {
    %c0_i32 = arith.constant 0 : i32
    %c0_i32_0 = arith.constant 0 : i32
    %c0_i32_1 = arith.constant 0 : i32
    return %arg0, %c0_i32, %c0_i32_0 : i32, i32, i32
  }
}

module attributes {stable_mosaic.version = 14 : i64} {
  func.func @_sub_body(%arg0: i32, %arg1: memref<1024x256xf32, #tpu.memory_space<vmem>>, %arg2: memref<1024x256xf32, #tpu.memory_space<vmem>>, %arg3: memref<1024x256xf32, #tpu.memory_space<vmem>>) attributes {dimension_semantics = [#tpu.dimension_semantics<arbitrary>], iteration_bounds = array<i64: 9>, scalar_prefetch = 0 : i64, scratch_operands = 0 : i64, tpu.core_type = #tpu.core_type<tc>, window_params = [{transform_indices = @transform_0, window_bounds = array<i64: 1024, 256>}, {transform_indices = @transform_1, window_bounds = array<i64: 1024, 256>}, {transform_indices = @transform_2, window_bounds = array<i64: 1024, 256>}]} {
    %get3A = arith.constant 0 : index
    %get3A_0 = arith.constant 0 : index
    %get3A_1 = vector.load %arg1[%get3A, %get3A_0] : memref<1024x256xf32, #tpu.memory_space<vmem>>, vector<1024x256xf32>
    %get3A_2 = arith.constant 0 : index
    %get3A_3 = arith.constant 0 : index
    %get3A_4 = vector.load %arg2[%get3A_2, %get3A_3] : memref<1024x256xf32, #tpu.memory_space<vmem>>, vector<1024x256xf32>
    %sub3A = arith.subf %get3A_1, %get3A_4 : vector<1024x256xf32>
    %swap3A = arith.constant 0 : index
    %swap3A_5 = arith.constant 0 : index
    %swap3A_6 = vector.load %arg3[%swap3A, %swap3A_5] : memref<1024x256xf32, #tpu.memory_space<vmem>>, vector<1024x256xf32>
    tpu.vector_store %arg3[%swap3A, %swap3A_5], %sub3A {strides = array<i32>} : memref<1024x256xf32, #tpu.memory_space<vmem>>, vector<1024x256xf32>,
    return
  }
  func.func @transform_0(%arg0: i32) -> (i32, i32) {
    %c0_i32 = arith.constant 0 : i32
    %c0_i32_0 = arith.constant 0 : i32
    return %arg0, %c0_i32 : i32, i32
  }
  func.func @transform_1(%arg0: i32) -> (i32, i32) {
    %c0_i32 = arith.constant 0 : i32
    %c0_i32_0 = arith.constant 0 : i32
    return %arg0, %c0_i32 : i32, i32
  }
  func.func @transform_2(%arg0: i32) -> (i32, i32) {
    %c0_i32 = arith.constant 0 : i32
    %c0_i32_0 = arith.constant 0 : i32
    return %arg0, %c0_i32 : i32, i32
  }
}

</mosaic_0001>

<sc_bundles>
// kernel: kernel.5.cloned.1.call-start
scs
__scs_entry_jumppad:
0x0: {  	(pc) =	sbr.rel $0x88, $3  }
0x1: {  	(tag) =	ssettag $0x0;
	lr =	simm.s32 $0x1  }
0x2: {  	[smem:$0x3F9F] =	sst lr;
	_ =	strace $0xD0000000  }
0x3: {  	_ = 	snop  }
0x4: {  	_ = 	snop  }
0x5: {  	_ = 	snop  }
0x6: {  	_ = 	snop  }
0x7: {  	_ = 	snop  }
__scs_overlays_trampoline_lowered:
0x8: {  	[smem:$0x3FAE] =	sst s0  }
0x9: {  	[smem:$0x3FAF] =	sst s1  }
0xa: {  	[smem:$0x3FB0] =	sst s2  }
0xb: {  	[smem:$0x3FB1] =	sst s3  }
0xc: {  	[smem:$0x3FB2] =	sst s4  }
0xd: {  	[smem:$0x3FB3] =	sst s5  }
0xe: {  	[smem:$0x3FB4] =	sst s6  }
0xf: {  	[smem:$0x3FB5] =	sst s7  }
0x10: {  	[smem:$0x3FB6] =	sst s8  }
0x11: {  	[smem:$0x3FB7] =	sst s9;
	s0 =	simm.s32 @!p0 $0x0  }
0x12: {  	s1 =	sld [smem:$0x3F9D];
	s0 =	simm.s32 @p0 $0x1  }
0x13: {  	[smem:$0x3FB8] =	sst s0;
	s0 =	simm.s32 @!p1 $0x0  }
0x14: {  	s2 =	sld [smem:$0x3F9C];
	s0 =	simm.s32 @p1 $0x1  }
0x15: {  	[smem:$0x3FB9] =	sst s0;
	s0 =	simm.s32 @!p2 $0x0  }
0x16: {  	s3 =	sld [smem:$0x3FDB];
	s0 =	simm.s32 @p2 $0x1  }
0x17: {  	s4 =	simm.s32 $0x1BF5;
	[smem:$0x3FBB] =	sst s0  }
0x18: {  	s0 =	sld [smem:$0x3F9E];
	_ =	swait.ge [sflag:s4], $0x0  }
0x19: {  	s7 =	sld [smem:$0x3F9F]  }
0x1a: {  	s8 =	sadd.s32 $0xFFFFE003, lr  }
0x1b: {  	s9 =	sadd.s32 $0xFFFFFEF7, lr;
	s5 =	simm.s32 $0xFFFFFFFF;
	p2 =	slt.u32 s8, $0xFFFFF086  }
0x1c: {  	p1 =	slt.u32 s9, $0xF7A;
	s5 =	simm.s32 @!p2 $0x0  }
0x1d: {  	s5 =	simm.s32 @p1 $0x1;
	p0 =	seq.s32 s7, s2  }
0x1e: {  	s7 =	smul.u32 @!p0 $0xF7A, s2;
	p2 =	seq.s32 @!p0 s5, $0x0  }
0x1f: {  	s9 =	smul.u32 $0xF7A, s1;
	s8 =	simm.s32 @!p0 $0x1BF5;
	p2 =	por !p2, p0  }
0x20: {  	[sflag:s8] =	ssyncset.s32 @!p0 $0xFFFFF086;
	s6 =	sadd.s32 @!p0 s3, s7;
	s7 =	simm.s32 @!p0 $0x108  }
0x21: {  	s3 =	sadd.s32 s3, s9;
	s6 =	sadd.s32 @!p0 $0x88, s6;
	s7 =	simm.s32 @p2 $0x1082  }
0x22: {  	[simem:s7], [sflag:s8] =	dma.local @!p0 [hbm:s6], $0xF7A  }
0x23: {  	s9 =	sor.u32 $0xD0000000, s2;
	s6 =	simm.s32 $0x108;
	_ =	swait.ge @!p0 [sflag:s8], $0x0  }
0x24: {  	s3 =	sadd.s32 $0x88, s3;
	s6 =	simm.s32 @!p1 $0x1082;
	[sflag:s4] =	ssyncset.s32 $0xFFFFF086  }
0x25: {  	[simem:s6], [sflag:s4] =	dma.local [hbm:s3], $0xF7A  }
0x26: {  	[smem:$0x3F9F] =	sst s1;
	(tag) =	ssettag s2;
	_ =	strace s9  }
0x27: {  	s1 =	sld [smem:$0x3FAF]  }
0x28: {  	s2 =	sld [smem:$0x3FB0]  }
0x29: {  	s4 =	sld [smem:$0x3FB2]  }
0x2a: {  	p0 =	seq.s32 s5, $0x0;
	s5 =	sld [smem:$0x3FB3]  }
0x2b: {  	s6 =	sld [smem:$0x3FB4]  }
0x2c: {  	s7 =	sld [smem:$0x3FB5]  }
0x2d: {  	s3 =	simm.s32 $0x108;
	s8 =	sld [smem:$0x3FB6]  }
0x2e: {  	s3 =	simm.s32 @!p0 $0x1082;
	s9 =	sld [smem:$0x3FB7]  }
0x2f: {  	lr =	sadd.s32 s0, s3;
	s0 =	sld [smem:$0x3FAE]  }
0x30: {  	s3 =	sld [smem:$0x3FB1]  }
0x31: {  	[smem:$0x3FBA] =	sst s10  }
0x32: {  	s10 =	sld [smem:$0x3FB8];
	_ =	sdelay $0x3  }
0x33: {  	p0 =	seq.s32 s10, $0x1;
	s10 =	sld [smem:$0x3FBA];
	_ =	sdelay $0x3  }
0x34: {  	[smem:$0x3FBA] =	sst s10  }
0x35: {  	s10 =	sld [smem:$0x3FB9];
	_ =	sdelay $0x3  }
0x36: {  	p1 =	seq.s32 s10, $0x1;
	s10 =	sld [smem:$0x3FBA];
	_ =	sdelay $0x3  }
0x37: {  	[smem:$0x3FBA] =	sst s10  }
0x38: {  	s10 =	sld [smem:$0x3FBB]  }
0x39: {  	_ = 	snop;
	(pc) =	sbr.ind lr, $3  }
0x3a: {  	_ = 	snop  }
0x3b: {  	_ = 	snop  }
0x3c: {  	p2 =	seq.s32 s10, $0x1;
	s10 =	sld [smem:$0x3FBA]  }
0x3d: {  	_ =	shalt  }
0x3e: {  	_ =	shalt  }
0x3f: {  	_ =	shalt  }
0x40: {  	_ =	shalt  }
0x41: {  	_ =	shalt  }
0x42: {  	_ =	shalt  }
0x43: {  	_ =	shalt  }
0x44: {  	_ =	shalt  }
0x45: {  	_ =	shalt  }
0x46: {  	_ =	shalt  }
0x47: {  	_ =	shalt  }
0x48: {  	_ =	shalt  }
0x49: {  	_ =	shalt  }
0x4a: {  	_ =	shalt  }
0x4b: {  	_ =	shalt  }
0x4c: {  	_ =	shalt  }
0x4d: {  	_ =	shalt  }
0x4e: {  	_ =	shalt  }
0x4f: {  	_ =	shalt  }
0x50: {  	_ =	shalt  }
0x51: {  	_ =	shalt  }
0x52: {  	_ =	shalt  }
0x53: {  	_ =	shalt  }
0x54: {  	_ =	shalt  }
0x55: {  	_ =	shalt  }
0x56: {  	_ =	shalt  }
0x57: {  	_ =	shalt  }
0x58: {  	_ =	shalt  }
0x59: {  	_ =	shalt  }
0x5a: {  	_ =	shalt  }
0x5b: {  	_ =	shalt  }
0x5c: {  	_ =	shalt  }
0x5d: {  	_ =	shalt  }
0x5e: {  	_ =	shalt  }
0x5f: {  	_ =	shalt  }
0x60: {  	_ =	shalt  }
0x61: {  	_ =	shalt  }
0x62: {  	_ =	shalt  }
0x63: {  	_ =	shalt  }
0x64: {  	_ =	shalt  }
0x65: {  	_ =	shalt  }
0x66: {  	_ =	shalt  }
0x67: {  	_ =	shalt  }
0x68: {  	_ =	shalt  }
0x69: {  	_ =	shalt  }
0x6a: {  	_ =	shalt  }
0x6b: {  	_ =	shalt  }
0x6c: {  	_ =	shalt  }
0x6d: {  	_ =	shalt  }
0x6e: {  	_ =	shalt  }
0x6f: {  	_ =	shalt  }
0x70: {  	_ =	shalt  }
0x71: {  	_ =	shalt  }
0x72: {  	_ =	shalt  }
0x73: {  	_ =	shalt  }
0x74: {  	_ =	shalt  }
0x75: {  	_ =	shalt  }
0x76: {  	_ =	shalt  }
0x77: {  	_ =	shalt  }
0x78: {  	_ =	shalt  }
0x79: {  	_ =	shalt  }
0x7a: {  	_ =	shalt  }
0x7b: {  	_ =	shalt  }
0x7c: {  	_ =	shalt  }
0x7d: {  	_ =	shalt  }
0x7e: {  	_ =	shalt  }
0x7f: {  	_ =	shalt  }
0x80: {  	_ =	shalt  }
0x81: {  	_ =	shalt  }
0x82: {  	_ =	shalt  }
0x83: {  	_ =	shalt  }
0x84: {  	_ =	shalt  }
0x85: {  	_ =	shalt  }
0x86: {  	_ =	shalt  }
0x87: {  	_ =	shalt  }
.Lfunc_end0:
.L_simem_size_0:
called_computation_lowered:
.L_overlay_start_0:
0x88: {  	s2 =	sld [smem:$0x3FD9]  }
0x89: {  	s3 =	sld [smem:$0x3FFE];
	_ =	sdelay $0x1  }
0x8a: {  	s1 =	srdreg.scid  }
0x8b: {  	s0 =	sand.u32 $0x1, s1  }
0x8c: {  	s15 =	sshll.u32 s0, $0xA;
	s2 =	sadd.s32 s3, s2  }
0x8d: {  	s2 =	sadd.s32 s2, s15  }
0x8e: {  	[smem:$0x3FC6] =	sst s2  }
0x8f: {  	_ = 	snop  }
0x90: {  	s2 =	sld [smem:$0x3FD0];
	_ =	sdelay $0x2  }
0x91: {  	s4 =	simm.s32 $0xA;
	s5 =	simm.s32 $0x10;
	s16 =	sld [smem:$0x3FC8]  }
0x92: {  	[smem:s5], [sflag:s4] =	dma.local [hbm:s2], $0x1  }
0x93: {  	_ =	swait.eq [sflag:s4], $0x1  }
0x94: {  	[sflag:s4] =	ssyncset.done $0x0  }
0x95: {  	s17 =	sld [smem:$0x10];
	[sflag:s4] =	ssyncadd.s32 $0xFFFFFFFF  }
0x96: {  	s18 =	sld [smem:$0x12];
	(tm) =	ssettm $0x1  }
0x97: {  	s19 =	sld [smem:$0x3FFB];
	_ =	sdelay $0x3  }
0x98: {  	_ =	strace s19  }
0x99: {  	s5 =	sld [smem:$0x3FFC];
	_ =	sdelay $0x3  }
0x9a: {  	_ =	strace s5  }
0x9b: {  	s5 =	sld [smem:$0x3FFD];
	_ =	sdelay $0x3  }
0x9c: {  	_ =	strace s5  }
0x9d: {  	_ =	strace $0x8FFFFFFF  }
0x9e: {  	s20 =	sld [smem:$0x3FDB];
	_ =	sdelay $0x1  }
0x9f: {  	s6 =	simm.s32 $_scs_section_size  }
0xa0: {  	s7 =	simm.s32 $_size__tile_overlayer_lowered;
	s8 =	simm.s32 $_tile_overlayer_lowered  }
0xa1: {  	s23 =	simm.s32 $0x1BFF;
	s22 =	sshll.u32 s8, $0x1;
	s5 =	sadd.s32 s6, s20  }
0xa2: {  	s9 =	simm.s32 $0x0;
	s21 =	sshll.u32 s7, $0x1;
	s7 =	sadd.s32 s22, s5  }
0xa3: {  	[timem:s9], [sflag:s23] =	dma.local [hbm:s7], s21  }
0xa4: {  	_ =	swait.ge [sflag:s23], s21  }
0xa5: {  	s6 =	ssub.s32 $0x0, s21;
	[sflag:s23] =	ssyncset.done $0x0  }
0xa6: {  	[sflag:s23] =	ssyncadd.s32 s6;
	_ =	sdelay $0x1  }
0xa7: {  	s24 =	simm.s32 $0x1B8B  }
0xa8: {  	_ =	swait.ge [sflag:s24], $0x1  }
0xa9: {  	[sflag:s24] =	ssyncset.done $0x0  }
0xaa: {  	s25 =	simm.s32 $0x1B8E;
	[sflag:s24] =	ssyncadd.s32 $0xFFFFFFFF  }
0xab: {  	s26 =	simm.s32 $execute0_lowered;
	[smem:$0x3FD2] =	sst s25  }
0xac: {  	s6 =	sshll.u32 s26, $0x1;
	_ =	strace $0x80000046;
	[dreg:$0x1] =	wrdreg $0xFFFFFFFF  }
0xad: {  	s28 =	simm.s32 $_size_execute0_lowered;
	s5 =	sadd.s32 s5, s6;
	[dreg:$0x0] =	wrdreg $0x0  }
0xae: {  	s6 =	sshll.u32 s28, $0x1;
	[dreg:$0x2] =	wrdreg s5  }
0xaf: {  	[dreg:$0x3] =	wrdreg s6  }
0xb0: {  	[dreg:$0x4] =	wrdreg $0xC0  }
0xb1: {  	_ =	task [dreg:s9], $0x5FFFF  }
0xb2: {  	[dreg:$0x1] =	wrdreg $0xFFFFFFFF  }
0xb3: {  	[dreg:$0x0] =	wrdreg $0x60  }
0xb4: {  	[dreg:$0x2] =	wrdreg s16  }
0xb5: {  	[dreg:$0x3] =	wrdreg s17  }
0xb6: {  	[dreg:$0x4] =	wrdreg s18  }
0xb7: {  	[dreg:$0x5] =	wrdreg $0x9  }
0xb8: {  	_ =	task.clear_ibuf [dreg:s9], $0x6FFFF;
	_ =	strace $0x90000046  }
0xb9: {  	s29 =	simm.s32 $0x9;
	_ =	strace $0x80000048  }
0xba: {  	_ =	swait.ge [sflag:s29], $0x1  }
0xbb: {  	[sflag:s29] =	ssyncadd.s32 $0xFFFFFFFF  }
0xbc: {  	_ =	strace $0x90000048  }
0xbd: {  	_ =	sfence  }
0xbe: {  	s30 =	sld [smem:$0x0];
	_ =	sdelay $0x2  }
0xbf: {  	s31 =	sshll.u32 s1, $0xD;
	s1 =	sshrl.u32 s1, $0x2  }
0xc0: {  	s3 =	sand.u32 $0x4000, s31;
	s1 =	sadd.s32 s1, s30  }
0xc1: {  	s0 =	sor.u32 s3, s0;
	s1 =	sshll.u32 s1, $0x11  }
0xc2: {  	s0 =	sor.u32 s1, s0  }
0xc3: {  	s0 =	sadd.s32 $0x8F2B, s0  }
0xc4: {  	[sflag:s0] =	ssyncadd.remote.s32 $0x1  }
0xc5: {  	_ =	sfence.sel $0xFFFF  }
0xc6: {  	[dreg:$0x0] =	wrdreg $0xFFFFFFFF;
	(pc) =	sbr.abs _section_cstart, $3  }
0xc7: {  	[dreg:$0x1] =	wrdreg $0xFFFFFFFF  }
0xc8: {  	_ =	task.clear_ibuf [dreg:s9], $0x2FFFF;
	_ =	strace $0x9FFFFFFF  }
0xc9: {  	(tm) =	ssettm $0x7FFFFFFF  }
tec
execute0_lowered:
.L_overlay_start_1:
0x0: {  	(tag) =	ssettag $0x1  }
0x1: {  	s1 =	rddreg [dreg:$0x0];
	s2 =	srdreg.scid  }
0x2: {  	s0 =	stileid.u32;
	s4 =	rddreg [dreg:$0x1]  }
0x3: {  	s5 =	rddreg [dreg:$0x2];
	s9 =	simm.s32 $0x1980;
	s10 =	simm.s32 $0x2180  }
0x4: {  	s11 =	simm.s32 $0x2980;
	s12 =	simm.s32 $0x3180;
	s13 =	simm.s32 $0x3980  }
0x5: {  	s14 =	simm.s32 $0x4180;
	s15 =	simm.s32 $0x4980;
	s16 =	simm.s32 $0x5180  }
0x6: {  	s17 =	simm.s32 $0x5980;
	s18 =	simm.s32 $0x6180;
	s19 =	simm.s32 $0x6980  }
0x7: {  	s20 =	simm.s32 $0x7180;
	s21 =	simm.s32 $0x7980;
	s28 =	simm.s32 $0xA980  }
0x8: {  	s29 =	simm.s32 $0xB180;
	s2 =	sand.u32 $0x1, s2;
	s3 =	sshll.u32 s0, $0x1  }
0x9: {  	s30 =	simm.s32 $0xB980;
	s31 =	simm.s32 $0x1;
	s6 =	sor.u32 s2, s3  }
0xa: {  	s3 =	simm.s32 $0x0;
	s2 =	ssub.s32 $0x2, s2;
	s7 =	smul.u32 $0x24, s6  }
0xb: {  	[smem:$0x7FF] =	sst s3;
	s8 =	smul.u32 $0x12000, s6;
	s24 =	sshrl.u32 s2, $0x1  }
0xc: {  	s6 =	smul.u32 $0x2400, s6;
	_ =	strace $0x80000047;
	s2 =	ssub.s32 s2, s24  }
0xd: {  	s24 =	simm.s32 $0x9180;
	s4 =	sadd.s32 s4, s7;
	s22 =	sshrl.u32 s8, $0x3  }
0xe: {  	s23 =	sadd.s32 s5, s6;
	s6 =	simm.s32 $0x180;
	s7 =	simm.s32 $0x980  }
0xf: {  	s8 =	simm.s32 $0x1180;
	[dreg:$0x4] =	wrdreg s4;
	s5 =	sadd.s32 s5, s22  }
0x10: {  	[dreg:$0x5] =	wrdreg s23;
	s4 =	smax.u32 s2, $0x1;
	s22 =	simm.s32 $0x8180  }
0x11: {  	v2 =	vlaneseq.u32;
	s23 =	simm.s32 $0x8980;
	s2 =	simm.s32 $0x2;
	s25 =	sadd.s32 $0xC00, s5  }
0x12: {  	vm0 =	vmmov $0xffff;
	v1 =	vshrl.u32 v2, $0x3;
	s26 =	sadd.s32 $0x1800, s5;
	s5 =	simm.s32 $0x3;
	[dreg:$0x6] =	wrdreg s25  }
0x13: {  	v0 =	vand.u32 $0x7, v2;
	v2 =	vor.u32 $0x8, v2;
	v1 =	vmul.u32 $0x8, v1;
	[dreg:$0x7] =	wrdreg s26;
	s25 =	simm.s32 $0x9980;
	s26 =	simm.s32 $0xA180  }
.LBB2_1:
0x14: {  	s0 =	rddreg [dreg:$0x4]  }
0x15: {  	[tilespmem:s3], [sflag:$0x3] =	stream.linear.gather [hbm4b:s0+s3], $0x120, $0x38;
	[tilespmem:$0xC180] =	vst v63  }
0x16: {  	_ =	swait.ge [sflag:s5], $0x120  }
0x17: {  	[sflag:s5] =	ssyncset.done $0x0  }
0x18: {  	[sflag:s5] =	ssyncadd.s32 $0xFFFFFEE0  }
0x19: {  	v3 =	vld [tilespmem:$0x0];
	_ =	sdelay $0x4  }
0x1a: {  	v4 =	vshll.u32 v3, $0x1  }
0x1b: {  	v3 =	vand.u32 $0x7, v3;
	v4 =	vand.u32 $0xFFFFFFF0, v4  }
0x1c: {  	v3 =	vor.u32 v3, v4  }
0x1d: {  	v4 =	vperm.xlane v3, v0;
	_ =	sdelay $0x1  }
0x1e: {  	v3 =	vperm.xlane v3, v2;
	v4 =	vadd.s32 v1, v4;
	_ =	sdelay $0x1  }
0x1f: {  	v3 =	vadd.s32 v1, v3;
	_ =	sdelay $0x2  }
0x20: {  	[tilespmem:s6], [sflag:$0x1] =	stream.indirect_vreg.gather [hbm4b:s1+s3], $0x80, v4, vm0, $0xb8;
	[tilespmem:$0xC180] =	vst v63  }
0x21: {  	_ = 	snop  }
0x22: {  	[tilespmem:s7], [sflag:$0x1] =	stream.indirect_vreg.gather [hbm4b:s1+s3], $0x80, v3, vm0, $0xb8;
	[tilespmem:$0xC180] =	vst v63  }
0x23: {  	v3 =	vld [tilespmem:$0x10];
	_ =	sdelay $0x4  }
0x24: {  	v47 =	vshll.u32 v3, $0x1  }
0x25: {  	v3 =	vand.u32 $0x7, v3;
	v4 =	vand.u32 $0xFFFFFFF0, v47  }
0x26: {  	v3 =	vor.u32 v3, v4  }
0x27: {  	v4 =	vperm.xlane v3, v0;
	_ =	sdelay $0x1  }
0x28: {  	v3 =	vperm.xlane v3, v2;
	v4 =	vadd.s32 v1, v4;
	_ =	sdelay $0x1  }
0x29: {  	v3 =	vadd.s32 v1, v3;
	_ =	sdelay $0x2  }
0x2a: {  	[tilespmem:s8], [sflag:$0x1] =	stream.indirect_vreg.gather [hbm4b:s1+s3], $0x80, v4, vm0, $0xb8;
	[tilespmem:$0xC180] =	vst v63  }
0x2b: {  	_ = 	snop  }
0x2c: {  	[tilespmem:s9], [sflag:$0x1] =	stream.indirect_vreg.gather [hbm4b:s1+s3], $0x80, v3, vm0, $0xb8;
	[tilespmem:$0xC180] =	vst v63  }
0x2d: {  	v3 =	vld [tilespmem:$0x20];
	_ =	sdelay $0x4  }
0x2e: {  	v48 =	vshll.u32 v3, $0x1  }
0x2f: {  	v3 =	vand.u32 $0x7, v3;
	v4 =	vand.u32 $0xFFFFFFF0, v48  }
0x30: {  	v3 =	vor.u32 v3, v4  }
0x31: {  	v4 =	vperm.xlane v3, v0;
	_ =	sdelay $0x1  }
0x32: {  	v3 =	vperm.xlane v3, v2;
	v4 =	vadd.s32 v1, v4;
	_ =	sdelay $0x1  }
0x33: {  	v3 =	vadd.s32 v1, v3;
	_ =	sdelay $0x2  }
0x34: {  	[tilespmem:s10], [sflag:$0x1] =	stream.indirect_vreg.gather [hbm4b:s1+s3], $0x80, v4, vm0, $0xb8;
	[tilespmem:$0xC180] =	vst v63  }
0x35: {  	_ = 	snop  }
0x36: {  	[tilespmem:s11], [sflag:$0x1] =	stream.indirect_vreg.gather [hbm4b:s1+s3], $0x80, v3, vm0, $0xb8;
	[tilespmem:$0xC180] =	vst v63  }
0x37: {  	v3 =	vld [tilespmem:$0x30];
	_ =	sdelay $0x4  }
0x38: {  	v49 =	vshll.u32 v3, $0x1  }
0x39: {  	v3 =	vand.u32 $0x7, v3;
	v4 =	vand.u32 $0xFFFFFFF0, v49  }
0x3a: {  	v3 =	vor.u32 v3, v4  }
0x3b: {  	v4 =	vperm.xlane v3, v0;
	_ =	sdelay $0x1  }
0x3c: {  	v3 =	vperm.xlane v3, v2;
	v4 =	vadd.s32 v1, v4;
	_ =	sdelay $0x1  }
0x3d: {  	v3 =	vadd.s32 v1, v3;
	_ =	sdelay $0x2  }
0x3e: {  	[tilespmem:s12], [sflag:$0x1] =	stream.indirect_vreg.gather [hbm4b:s1+s3], $0x80, v4, vm0, $0xb8;
	[tilespmem:$0xC180] =	vst v63  }
0x3f: {  	_ = 	snop  }
0x40: {  	[tilespmem:s13], [sflag:$0x1] =	stream.indirect_vreg.gather [hbm4b:s1+s3], $0x80, v3, vm0, $0xb8;
	[tilespmem:$0xC180] =	vst v63  }
0x41: {  	v3 =	vld [tilespmem:$0x40];
	_ =	sdelay $0x4  }
0x42: {  	v50 =	vshll.u32 v3, $0x1  }
0x43: {  	v3 =	vand.u32 $0x7, v3;
	v4 =	vand.u32 $0xFFFFFFF0, v50  }
0x44: {  	v3 =	vor.u32 v3, v4  }
0x45: {  	v4 =	vperm.xlane v3, v0;
	_ =	sdelay $0x1  }
0x46: {  	v3 =	vperm.xlane v3, v2;
	v4 =	vadd.s32 v1, v4;
	_ =	sdelay $0x1  }
0x47: {  	v3 =	vadd.s32 v1, v3;
	_ =	sdelay $0x2  }
0x48: {  	[tilespmem:s14], [sflag:$0x1] =	stream.indirect_vreg.gather [hbm4b:s1+s3], $0x80, v4, vm0, $0xb8;
	[tilespmem:$0xC180] =	vst v63  }
0x49: {  	_ = 	snop  }
0x4a: {  	[tilespmem:s15], [sflag:$0x1] =	stream.indirect_vreg.gather [hbm4b:s1+s3], $0x80, v3, vm0, $0xb8;
	[tilespmem:$0xC180] =	vst v63  }
0x4b: {  	v3 =	vld [tilespmem:$0x50];
	_ =	sdelay $0x4  }
0x4c: {  	v51 =	vshll.u32 v3, $0x1  }
0x4d: {  	v3 =	vand.u32 $0x7, v3;
	v4 =	vand.u32 $0xFFFFFFF0, v51  }
0x4e: {  	v3 =	vor.u32 v3, v4  }
0x4f: {  	v4 =	vperm.xlane v3, v0;
	_ =	sdelay $0x1  }
0x50: {  	v3 =	vperm.xlane v3, v2;
	v4 =	vadd.s32 v1, v4;
	_ =	sdelay $0x1  }
0x51: {  	v3 =	vadd.s32 v1, v3;
	_ =	sdelay $0x2  }
0x52: {  	[tilespmem:s16], [sflag:$0x1] =	stream.indirect_vreg.gather [hbm4b:s1+s3], $0x80, v4, vm0, $0xb8;
	[tilespmem:$0xC180] =	vst v63  }
0x53: {  	_ = 	snop  }
0x54: {  	[tilespmem:s17], [sflag:$0x1] =	stream.indirect_vreg.gather [hbm4b:s1+s3], $0x80, v3, vm0, $0xb8;
	[tilespmem:$0xC180] =	vst v63  }
0x55: {  	v3 =	vld [tilespmem:$0x60];
	_ =	sdelay $0x4  }
0x56: {  	v52 =	vshll.u32 v3, $0x1  }
0x57: {  	v3 =	vand.u32 $0x7, v3;
	v4 =	vand.u32 $0xFFFFFFF0, v52  }
0x58: {  	v3 =	vor.u32 v3, v4  }
0x59: {  	v4 =	vperm.xlane v3, v0;
	_ =	sdelay $0x1  }
0x5a: {  	v3 =	vperm.xlane v3, v2;
	v4 =	vadd.s32 v1, v4;
	_ =	sdelay $0x1  }
0x5b: {  	v3 =	vadd.s32 v1, v3;
	_ =	sdelay $0x2  }
0x5c: {  	[tilespmem:s18], [sflag:$0x2] =	stream.indirect_vreg.gather [hbm4b:s1+s3], $0x80, v4, vm0, $0xb8;
	[tilespmem:$0xC180] =	vst v63  }
0x5d: {  	_ = 	snop  }
0x5e: {  	[tilespmem:s19], [sflag:$0x2] =	stream.indirect_vreg.gather [hbm4b:s1+s3], $0x80, v3, vm0, $0xb8;
	[tilespmem:$0xC180] =	vst v63  }
0x5f: {  	v3 =	vld [tilespmem:$0x70];
	_ =	sdelay $0x4  }
0x60: {  	v53 =	vshll.u32 v3, $0x1  }
0x61: {  	v3 =	vand.u32 $0x7, v3;
	v4 =	vand.u32 $0xFFFFFFF0, v53  }
0x62: {  	v3 =	vor.u32 v3, v4  }
0x63: {  	v4 =	vperm.xlane v3, v0;
	_ =	sdelay $0x1  }
0x64: {  	v3 =	vperm.xlane v3, v2;
	v4 =	vadd.s32 v1, v4;
	_ =	sdelay $0x1  }
0x65: {  	v3 =	vadd.s32 v1, v3;
	_ =	sdelay $0x2  }
0x66: {  	[tilespmem:s20], [sflag:$0x2] =	stream.indirect_vreg.gather [hbm4b:s1+s3], $0x80, v4, vm0, $0xb8;
	[tilespmem:$0xC180] =	vst v63  }
0x67: {  	_ = 	snop  }
0x68: {  	[tilespmem:s21], [sflag:$0x2] =	stream.indirect_vreg.gather [hbm4b:s1+s3], $0x80, v3, vm0, $0xb8;
	[tilespmem:$0xC180] =	vst v63  }
0x69: {  	v3 =	vld [tilespmem:$0x80];
	_ =	sdelay $0x4  }
0x6a: {  	v54 =	vshll.u32 v3, $0x1  }
0x6b: {  	v3 =	vand.u32 $0x7, v3;
	v4 =	vand.u32 $0xFFFFFFF0, v54  }
0x6c: {  	v3 =	vor.u32 v3, v4  }
0x6d: {  	v4 =	vperm.xlane v3, v0;
	_ =	sdelay $0x1  }
0x6e: {  	v3 =	vperm.xlane v3, v2;
	v4 =	vadd.s32 v1, v4;
	_ =	sdelay $0x1  }
0x6f: {  	v3 =	vadd.s32 v1, v3;
	_ =	sdelay $0x2  }
0x70: {  	[tilespmem:s22], [sflag:$0x2] =	stream.indirect_vreg.gather [hbm4b:s1+s3], $0x80, v4, vm0, $0xb8;
	[tilespmem:$0xC180] =	vst v63  }
0x71: {  	_ = 	snop  }
0x72: {  	[tilespmem:s23], [sflag:$0x2] =	stream.indirect_vreg.gather [hbm4b:s1+s3], $0x80, v3, vm0, $0xb8;
	[tilespmem:$0xC180] =	vst v63  }
0x73: {  	v3 =	vld [tilespmem:$0x90];
	_ =	sdelay $0x4  }
0x74: {  	v55 =	vshll.u32 v3, $0x1  }
0x75: {  	v3 =	vand.u32 $0x7, v3;
	v4 =	vand.u32 $0xFFFFFFF0, v55  }
0x76: {  	v3 =	vor.u32 v3, v4  }
0x77: {  	v4 =	vperm.xlane v3, v0;
	_ =	sdelay $0x1  }
0x78: {  	v3 =	vperm.xlane v3, v2;
	v4 =	vadd.s32 v1, v4;
	_ =	sdelay $0x1  }
0x79: {  	v3 =	vadd.s32 v1, v3;
	_ =	sdelay $0x2  }
0x7a: {  	[tilespmem:s24], [sflag:$0x2] =	stream.indirect_vreg.gather [hbm4b:s1+s3], $0x80, v4, vm0, $0xb8;
	[tilespmem:$0xC180] =	vst v63  }
0x7b: {  	_ = 	snop  }
0x7c: {  	[tilespmem:s25], [sflag:$0x2] =	stream.indirect_vreg.gather [hbm4b:s1+s3], $0x80, v3, vm0, $0xb8;
	[tilespmem:$0xC180] =	vst v63  }
0x7d: {  	v3 =	vld [tilespmem:$0xA0];
	_ =	sdelay $0x4  }
0x7e: {  	v56 =	vshll.u32 v3, $0x1  }
0x7f: {  	v3 =	vand.u32 $0x7, v3;
	v4 =	vand.u32 $0xFFFFFFF0, v56  }
0x80: {  	v3 =	vor.u32 v3, v4  }
0x81: {  	v4 =	vperm.xlane v3, v0;
	_ =	sdelay $0x1  }
0x82: {  	v3 =	vperm.xlane v3, v2;
	v4 =	vadd.s32 v1, v4;
	_ =	sdelay $0x1  }
0x83: {  	v3 =	vadd.s32 v1, v3;
	_ =	sdelay $0x2  }
0x84: {  	[tilespmem:s26], [sflag:$0x2] =	stream.indirect_vreg.gather [hbm4b:s1+s3], $0x80, v4, vm0, $0xb8;
	[tilespmem:$0xC180] =	vst v63  }
0x85: {  	_ = 	snop  }
0x86: {  	[tilespmem:s28], [sflag:$0x2] =	stream.indirect_vreg.gather [hbm4b:s1+s3], $0x80, v3, vm0, $0xb8;
	[tilespmem:$0xC180] =	vst v63  }
0x87: {  	v3 =	vld [tilespmem:$0xB0];
	_ =	sdelay $0x4  }
0x88: {  	v57 =	vshll.u32 v3, $0x1  }
0x89: {  	v3 =	vand.u32 $0x7, v3;
	v4 =	vand.u32 $0xFFFFFFF0, v57  }
0x8a: {  	v3 =	vor.u32 v3, v4  }
0x8b: {  	v4 =	vperm.xlane v3, v0;
	_ =	sdelay $0x1  }
0x8c: {  	v3 =	vperm.xlane v3, v2;
	v4 =	vadd.s32 v1, v4;
	_ =	sdelay $0x1  }
0x8d: {  	v3 =	vadd.s32 v1, v3;
	_ =	sdelay $0x2  }
0x8e: {  	[tilespmem:s29], [sflag:$0x2] =	stream.indirect_vreg.gather [hbm4b:s1+s3], $0x80, v4, vm0, $0xb8;
	[tilespmem:$0xC180] =	vst v63  }
0x8f: {  	_ = 	snop  }
0x90: {  	[tilespmem:s30], [sflag:$0x2] =	stream.indirect_vreg.gather [hbm4b:s1+s3], $0x80, v3, vm0, $0xb8;
	[tilespmem:$0xC180] =	vst v63  }
0x91: {  	_ =	swait.ge [sflag:s31], $0x6000  }
0x92: {  	[sflag:s31] =	ssyncset.done $0x0  }
0x93: {  	s0 =	rddreg [dreg:$0x5];
	[sflag:s31] =	ssyncadd.s32 $0xFFFFA000  }
0x94: {  	[hbm4b:s0+s3] =	stream.linear.scatter [tilespmem:s6], [sflag:$0x3], $0x6000, $0x38;
	[tilespmem:$0xC180] =	vst v63  }
0x95: {  	_ =	swait.ge [sflag:s5], $0x6000  }
0x96: {  	[sflag:s5] =	ssyncset.done $0x0  }
0x97: {  	[sflag:s5] =	ssyncadd.s32 $0xFFFFA000  }
0x98: {  	v3 =	vld [tilespmem:$0xC0];
	_ =	sdelay $0x4  }
0x99: {  	v58 =	vshll.u32 v3, $0x1  }
0x9a: {  	v3 =	vand.u32 $0x7, v3;
	v4 =	vand.u32 $0xFFFFFFF0, v58  }
0x9b: {  	v3 =	vor.u32 v3, v4  }
0x9c: {  	v4 =	vperm.xlane v3, v0;
	_ =	sdelay $0x1  }
0x9d: {  	v3 =	vperm.xlane v3, v2;
	v4 =	vadd.s32 v1, v4;
	_ =	sdelay $0x1  }
0x9e: {  	v3 =	vadd.s32 v1, v3;
	_ =	sdelay $0x2  }
0x9f: {  	[tilespmem:s6], [sflag:$0x1] =	stream.indirect_vreg.gather [hbm4b:s1+s3], $0x80, v4, vm0, $0xb8;
	[tilespmem:$0xC180] =	vst v63  }
0xa0: {  	_ = 	snop  }
0xa1: {  	[tilespmem:s7], [sflag:$0x1] =	stream.indirect_vreg.gather [hbm4b:s1+s3], $0x80, v3, vm0, $0xb8;
	[tilespmem:$0xC180] =	vst v63  }
0xa2: {  	v3 =	vld [tilespmem:$0xD0];
	_ =	sdelay $0x4  }
0xa3: {  	v59 =	vshll.u32 v3, $0x1  }
0xa4: {  	v3 =	vand.u32 $0x7, v3;
	v4 =	vand.u32 $0xFFFFFFF0, v59  }
0xa5: {  	v3 =	vor.u32 v3, v4  }
0xa6: {  	v4 =	vperm.xlane v3, v0;
	_ =	sdelay $0x1  }
0xa7: {  	v3 =	vperm.xlane v3, v2;
	v4 =	vadd.s32 v1, v4;
	_ =	sdelay $0x1  }
0xa8: {  	v3 =	vadd.s32 v1, v3;
	_ =	sdelay $0x2  }
0xa9: {  	[tilespmem:s8], [sflag:$0x1] =	stream.indirect_vreg.gather [hbm4b:s1+s3], $0x80, v4, vm0, $0xb8;
	[tilespmem:$0xC180] =	vst v63  }
0xaa: {  	_ = 	snop  }
0xab: {  	[tilespmem:s9], [sflag:$0x1] =	stream.indirect_vreg.gather [hbm4b:s1+s3], $0x80, v3, vm0, $0xb8;
	[tilespmem:$0xC180] =	vst v63  }
0xac: {  	v3 =	vld [tilespmem:$0xE0];
	_ =	sdelay $0x4  }
0xad: {  	v60 =	vshll.u32 v3, $0x1  }
0xae: {  	v3 =	vand.u32 $0x7, v3;
	v4 =	vand.u32 $0xFFFFFFF0, v60  }
0xaf: {  	v3 =	vor.u32 v3, v4  }
0xb0: {  	v4 =	vperm.xlane v3, v0;
	_ =	sdelay $0x1  }
0xb1: {  	v3 =	vperm.xlane v3, v2;
	v4 =	vadd.s32 v1, v4;
	_ =	sdelay $0x1  }
0xb2: {  	v3 =	vadd.s32 v1, v3;
	_ =	sdelay $0x2  }
0xb3: {  	[tilespmem:s10], [sflag:$0x1] =	stream.indirect_vreg.gather [hbm4b:s1+s3], $0x80, v4, vm0, $0xb8;
	[tilespmem:$0xC180] =	vst v63  }
0xb4: {  	_ = 	snop  }
0xb5: {  	[tilespmem:s11], [sflag:$0x1] =	stream.indirect_vreg.gather [hbm4b:s1+s3], $0x80, v3, vm0, $0xb8;
	[tilespmem:$0xC180] =	vst v63  }
0xb6: {  	v3 =	vld [tilespmem:$0xF0];
	_ =	sdelay $0x4  }
0xb7: {  	v61 =	vshll.u32 v3, $0x1  }
0xb8: {  	v3 =	vand.u32 $0x7, v3;
	v4 =	vand.u32 $0xFFFFFFF0, v61  }
0xb9: {  	v3 =	vor.u32 v3, v4  }
0xba: {  	v4 =	vperm.xlane v3, v0;
	_ =	sdelay $0x1  }
0xbb: {  	v3 =	vperm.xlane v3, v2;
	v4 =	vadd.s32 v1, v4;
	_ =	sdelay $0x1  }
0xbc: {  	v3 =	vadd.s32 v1, v3;
	_ =	sdelay $0x2  }
0xbd: {  	[tilespmem:s12], [sflag:$0x1] =	stream.indirect_vreg.gather [hbm4b:s1+s3], $0x80, v4, vm0, $0xb8;
	[tilespmem:$0xC180] =	vst v63  }
0xbe: {  	_ = 	snop  }
0xbf: {  	[tilespmem:s13], [sflag:$0x1] =	stream.indirect_vreg.gather [hbm4b:s1+s3], $0x80, v3, vm0, $0xb8;
	[tilespmem:$0xC180] =	vst v63  }
0xc0: {  	v3 =	vld [tilespmem:$0x100];
	_ =	sdelay $0x4  }
0xc1: {  	v62 =	vshll.u32 v3, $0x1  }
0xc2: {  	v3 =	vand.u32 $0x7, v3;
	v4 =	vand.u32 $0xFFFFFFF0, v62  }
0xc3: {  	v3 =	vor.u32 v3, v4  }
0xc4: {  	v4 =	vperm.xlane v3, v0;
	_ =	sdelay $0x1  }
0xc5: {  	v3 =	vperm.xlane v3, v2;
	v4 =	vadd.s32 v1, v4;
	_ =	sdelay $0x1  }
0xc6: {  	v3 =	vadd.s32 v1, v3;
	_ =	sdelay $0x2  }
0xc7: {  	[tilespmem:s14], [sflag:$0x1] =	stream.indirect_vreg.gather [hbm4b:s1+s3], $0x80, v4, vm0, $0xb8;
	[tilespmem:$0xC180] =	vst v63  }
0xc8: {  	_ = 	snop  }
0xc9: {  	[tilespmem:s15], [sflag:$0x1] =	stream.indirect_vreg.gather [hbm4b:s1+s3], $0x80, v3, vm0, $0xb8;
	[tilespmem:$0xC180] =	vst v63  }
0xca: {  	v3 =	vld [tilespmem:$0x110];
	_ =	sdelay $0x4  }
0xcb: {  	v63 =	vshll.u32 v3, $0x1  }
0xcc: {  	v3 =	vand.u32 $0x7, v3;
	v4 =	vand.u32 $0xFFFFFFF0, v63  }
0xcd: {  	v3 =	vor.u32 v3, v4  }
0xce: {  	v4 =	vperm.xlane v3, v0;
	_ =	sdelay $0x1  }
0xcf: {  	v3 =	vperm.xlane v3, v2;
	v4 =	vadd.s32 v1, v4;
	_ =	sdelay $0x1  }
0xd0: {  	v3 =	vadd.s32 v1, v3;
	_ =	sdelay $0x2  }
0xd1: {  	[tilespmem:s16], [sflag:$0x1] =	stream.indirect_vreg.gather [hbm4b:s1+s3], $0x80, v4, vm0, $0xb8;
	[tilespmem:$0xC180] =	vst v63  }
0xd2: {  	_ = 	snop  }
0xd3: {  	[tilespmem:s17], [sflag:$0x1] =	stream.indirect_vreg.gather [hbm4b:s1+s3], $0x80, v3, vm0, $0xb8;
	[tilespmem:$0xC180] =	vst v63  }
0xd4: {  	_ =	swait.ge [sflag:s2], $0x6000  }
0xd5: {  	[sflag:s2] =	ssyncset.done $0x0  }
0xd6: {  	s0 =	rddreg [dreg:$0x6];
	[sflag:s2] =	ssyncadd.s32 $0xFFFFA000  }
0xd7: {  	[hbm4b:s0+s3] =	stream.linear.scatter [tilespmem:s18], [sflag:$0x3], $0x6000, $0x38;
	[tilespmem:$0xC180] =	vst v63  }
0xd8: {  	_ =	swait.ge [sflag:s5], $0x6000  }
0xd9: {  	[sflag:s5] =	ssyncset.done $0x0  }
0xda: {  	[sflag:s5] =	ssyncadd.s32 $0xFFFFA000  }
0xdb: {  	_ =	swait.ge [sflag:s31], $0x6000  }
0xdc: {  	p0 =	sne.s32 s4, $0x1;
	[sflag:s31] =	ssyncset.done $0x0  }
.Ltmp0:
0xdd: {  	s0 =	rddreg [dreg:$0x7];
	[sflag:s31] =	ssyncadd.s32 $0xFFFFA000;
	(pc) =	sbr.rel @p0 .LBB2_1-.Ltmp0, $4  }
0xde: {  	[hbm4b:s0+s3] =	stream.linear.scatter [tilespmem:s6], [sflag:$0x3], $0x6000, $0x38;
	[tilespmem:$0xC180] =	vst v63  }
0xdf: {  	_ =	swait.ge [sflag:s5], $0x6000  }
0xe0: {  	[sflag:s5] =	ssyncset.done $0x0  }
0xe1: {  	s4 =	sadd.s32 $0xFFFFFFFF, s4;
	[sflag:s5] =	ssyncadd.s32 $0xFFFFA000  }
0xe2: {  	_ =	sfence.sel $0x180000  }
0xe3: {  	[bflag:$0x0] =	sbarrier.arrive $0xFFFF  }
0xe4: {  	_ =	strace $0x90000047  }
0xe5: {  	s0 =	stileid.u32;
	[bflag:$0x2] =	sbarrier.arrive $0xFFFF  }
0xe6: {  	p0 =	sne.s32 s0, $0x0;
	s0 =	rddreg [dreg:$0x3]  }
0xe7: {  	s0 =	sadd.s32 @!p0 $0x100000, s0  }
0xe8: {  	[sflag:s0] =	ssyncadd.tile.s32 @!p0 $0x1;
	_ =	shalt  }
.Lfunc_end2:
_tile_overlayer_lowered:
.L_overlay_start_2:
0xe9: {  	(tag) =	ssettag $0x2  }
0xea: {  	s0 =	rddreg [dreg:$0x0];
	s2 =	stileid.u32  }
0xeb: {  	s1 =	rddreg [dreg:$0x1];
	p0 =	sne.s32 s2, $0x0  }
0xec: {  	s3 =	rddreg [dreg:$0x2];
	[bflag:$0x3] =	sbarrier.arrive $0xFFFF;
	s2 =	simm.s32 @!p0 $0x1C03  }
0xed: {  	[timem:s3], [sflag:s2] =	dma.local @!p0 [hbm:s0], s1  }
0xee: {  	s0 =	simm.s32 @!p0 $0x3  }
0xef: {  	_ =	swait.ge @!p0 [sflag:s0], s1  }
0xf0: {  	s1 =	ssub.s32 @!p0 $0x0, s1;
	[sflag:s0] =	ssyncset.done @!p0 $0x0  }
0xf1: {  	[sflag:s0] =	ssyncadd.s32 @!p0 s1  }
0xf2: {  	[bflag:$0x3] =	sbarrier.arrive $0xFFFF  }
0xf3: {  	_ =	shalt  }

</sc_bundles>
